<compile_context>
chip_gen: v7x
topology: tpu7x:2x2x1
jax: 0.10.2.dev20260603
libtpu: 0.0.44.dev20260713+nightly
codegen_flags: <defaults>
</compile_context>

<pallas_src>
import functools

import jax
import jax.numpy as jnp
import numpy as np
from jax import lax
from jax.experimental import pallas as pl
from jax.experimental.pallas import tpu as pltpu
from jax.experimental.pallas import tpu_sc as plsc

_TIMESTEPS = 500
_NUM_CLASSES = 20
_TINY = np.float32(np.finfo(np.float32).tiny)


def _alphas_bar_table() -> np.ndarray:
    steps = _TIMESTEPS + 2
    x = np.linspace(0, steps, steps)
    ac = np.cos(0.5 * np.pi * ((x / steps) + 0.008) / (1 + 0.008)) ** 2
    ac = ac / ac[0]
    betas = np.clip(1.0 - ac[1:] / ac[:-1], 0.0, 0.999)
    alphas = 1.0 - np.clip(betas, 0.0, 0.9999)
    out = np.cumprod(alphas).astype(np.float32)
    padded = np.zeros((512,), np.float32)
    padded[: out.shape[0]] = out
    return padded


_ABAR = _alphas_bar_table()


def _sc_gather(abar_hbm, tidx_hbm, batch_hbm, atok_hbm, abar_t_hbm,
               abar_v, tidx_v, bidx_v, out_v, asmall_v):
    n_tok = batch_hbm.shape[0]
    b_sz = tidx_hbm.shape[0]
    nw = 32
    chunk = n_tok // nw
    bchunk = b_sz // nw
    wid = lax.axis_index("s") * 2 + lax.axis_index("c")
    base = wid * chunk
    pltpu.sync_copy(abar_hbm, abar_v)
    pltpu.sync_copy(tidx_hbm, tidx_v)
    pltpu.sync_copy(batch_hbm.at[pl.ds(base, chunk)], bidx_v)

    def body(i, carry):
        sl = pl.ds(i * 16, 16)
        b = bidx_v[sl]
        t = plsc.load_gather(tidx_v, [b])
        out_v[sl] = plsc.load_gather(abar_v, [t])
        return carry

    lax.fori_loop(0, chunk // 16, body, 0, unroll=4)
    pltpu.sync_copy(out_v, atok_hbm.at[pl.ds(base, chunk)])

    def body2(i, carry):
        sl = pl.ds(i * 16, 16)
        t = tidx_v[pl.ds(wid * bchunk + i * 16, 16)]
        asmall_v[sl] = plsc.load_gather(abar_v, [t])
        return carry

    lax.fori_loop(0, bchunk // 16, body2, 0, unroll=2)
    pltpu.sync_copy(asmall_v, abar_t_hbm.at[pl.ds(wid * bchunk, bchunk)])


def _rounds(x0, x1, rots):
    for r in rots:
        x0 = x0 + x1
        x1 = jnp.bitwise_or(lax.shift_left(x1, r),
                            lax.shift_right_logical(x1, 32 - r))
        x1 = jnp.bitwise_xor(x0, x1)
    return x0, x1


def _logu_jmajor(tt):
    base = pl.program_id(0) * (tt * _NUM_CLASSES)
    p = (base
         + lax.broadcasted_iota(jnp.int32, (_NUM_CLASSES, tt), 1) * _NUM_CLASSES
         + lax.broadcasted_iota(jnp.int32, (_NUM_CLASSES, tt), 0))
    ks1 = jnp.int32(1)
    ks2 = jnp.int32(0x1BD11BDB)
    r0 = (13, 15, 26, 6)
    r1 = (17, 29, 16, 24)
    x0 = jnp.zeros_like(p)
    x1 = p + ks1
    x0, x1 = _rounds(x0, x1, r0); x0 = x0 + ks1; x1 = x1 + (ks2 + 1)
    x0, x1 = _rounds(x0, x1, r1); x0 = x0 + ks2; x1 = x1 + 2
    x0, x1 = _rounds(x0, x1, r0); x0 = x0;       x1 = x1 + (ks1 + 3)
    x0, x1 = _rounds(x0, x1, r1); x0 = x0 + ks1; x1 = x1 + (ks2 + 4)
    x0, x1 = _rounds(x0, x1, r0); x0 = x0 + ks2; x1 = x1 + 5
    b = jnp.bitwise_xor(x0, x1)
    f = jnp.bitwise_or(lax.shift_right_logical(b, 9), jnp.int32(0x3F800000))
    u = lax.bitcast_convert_type(f, jnp.float32) - 1.0
    u = jnp.maximum(u, _TINY)
    return jnp.log(u)


def _tc_body(x_ref, a_ref, mc_ref, prob_ref, noise_ref):
    x = x_ref[...]
    tt = x.shape[0]
    a = a_ref[...]
    mc = mc_ref[...]
    xt = jnp.transpose(x)
    at = a.reshape(1, tt)
    st = jnp.sum(xt, axis=0, keepdims=True)
    pt = at * xt + ((1.0 - at) * st) * mc
    logu = _logu_jmajor(tt)
    r = logu / (pt + 1e-12)
    mx = jnp.max(r, axis=0, keepdims=True)
    iota = lax.broadcasted_iota(jnp.int32, r.shape, 0)
    idx = jnp.min(jnp.where(r == mx, iota, _NUM_CLASSES), axis=0, keepdims=True)
    onehot_t = (iota == idx).astype(jnp.float32)
    prob_ref[...] = jnp.transpose(pt)
    noise_ref[...] = jnp.transpose(onehot_t)


def kernel(x, batch, t_int, x_marginal):
    n_tok = x.shape[0]
    b_sz = t_int.shape[0]
    abar = jnp.asarray(_ABAR)
    tidx = t_int.astype(jnp.int32).reshape(b_sz)
    bidx = batch.astype(jnp.int32)

    mesh = plsc.VectorSubcoreMesh(core_axis_name="c", subcore_axis_name="s")
    sc = functools.partial(
        pl.kernel, mesh=mesh,
        compiler_params=pltpu.CompilerParams(needs_layout_passes=False),
        out_type=[jax.ShapeDtypeStruct((n_tok,), jnp.float32),
                  jax.ShapeDtypeStruct((b_sz,), jnp.float32)],
        scratch_types=[
            pltpu.VMEM((512,), jnp.float32),
            pltpu.VMEM((b_sz,), jnp.int32),
            pltpu.VMEM((n_tok // 32,), jnp.int32),
            pltpu.VMEM((n_tok // 32,), jnp.float32),
            pltpu.VMEM((b_sz // 32,), jnp.float32),
        ],
    )(_sc_gather)
    a_tok, abar_t = sc(abar, tidx, bidx)

    m_col = x_marginal.reshape(_NUM_CLASSES, 1)

    tt = 8192
    grid = (n_tok // tt,)
    prob, noise = pl.pallas_call(
        _tc_body,
        grid=grid,
        in_specs=[
            pl.BlockSpec((tt, _NUM_CLASSES), lambda i: (i, 0)),
            pl.BlockSpec((tt,), lambda i: (i,)),
            pl.BlockSpec((_NUM_CLASSES, 1), lambda i: (0, 0)),
        ],
        out_specs=[
            pl.BlockSpec((tt, _NUM_CLASSES), lambda i: (i, 0)),
            pl.BlockSpec((tt, _NUM_CLASSES), lambda i: (i, 0)),
        ],
        out_shape=[
            jax.ShapeDtypeStruct((n_tok, _NUM_CLASSES), jnp.float32),
            jax.ShapeDtypeStruct((n_tok, _NUM_CLASSES), jnp.float32),
        ],
    )(x, a_tok, m_col)
    return prob, noise, abar_t

# --- scband reference (transcript-rebuilt; emitter-appended) ---
"""Pipeline reference for scband-prior-diff-85383949845226 (READ-ONLY COPY).

The authoritative reference and input builder live on the scoring server;
editing this copy changes nothing except your own understanding.
"""

import jax, jax.numpy as jnp
import numpy as np

TIMESTEPS = 500
NUM_CLASSES = 20
N = 131072
B = 1024


def cosine_beta_schedule_discrete(timesteps, s=0.008):
    # DiGress-style cosine schedule for PredefinedNoiseScheduleDiscrete
    steps = timesteps + 2
    x = np.linspace(0, steps, steps)
    alphas_cumprod = np.cos(0.5 * np.pi * ((x / steps) + s) / (1 + s)) ** 2
    alphas_cumprod = alphas_cumprod / alphas_cumprod[0]
    alphas = alphas_cumprod[1:] / alphas_cumprod[:-1]
    betas = 1.0 - alphas
    return np.clip(betas, 0.0, 0.999)


def compute_alphas_bar(timesteps):
    betas = cosine_beta_schedule_discrete(timesteps)
    alphas = 1.0 - np.clip(betas, a_min=0.0, a_max=0.9999)
    alphas_bar = np.cumprod(alphas)
    return alphas_bar.astype(np.float32)


def setup_inputs(seed: int = 0) -> dict:
    key = jax.random.key(seed)
    k1, k2, k3, k4 = jax.random.split(key, 4)
    x = jax.random.uniform(k1, (N, NUM_CLASSES), dtype=jnp.float32)
    batch = jnp.sort(jax.random.randint(k2, (N,), 0, B)).astype(jnp.int64)
    t_int = jax.random.randint(k3, (B, 1), 0, TIMESTEPS + 1).astype(jnp.int64)
    # marginal amino-acid distribution (stands in for data/train_magrinal_x.pt)
    x_marginal = jax.nn.softmax(jax.random.normal(k4, (NUM_CLASSES,), dtype=jnp.float32))
    return {"x": x, "batch": batch, "t_int": t_int, "x_marginal": x_marginal}


def reference(x, batch, t_int, x_marginal):
    # Prior_Diff.apply_noise with noise_type='marginal'
    alphas_bar = jnp.asarray(compute_alphas_bar(TIMESTEPS))  # [T+1]
    t_float = t_int.astype(jnp.float32) / TIMESTEPS  # [B,1]
    # noise_schedule.get_alpha_bar: index precomputed table
    idx = jnp.round(t_float * TIMESTEPS).astype(jnp.int32).squeeze(-1)  # [B]
    alpha_t_bar = alphas_bar[idx][:, None, None]  # [B,1,1]
    # DiscreteMarginalTransition.get_Qt_bar: a*I + (1-a) * 1 m^T
    eye = jnp.eye(NUM_CLASSES, dtype=jnp.float32)
    m_mat = jnp.ones((NUM_CLASSES, 1), dtype=jnp.float32) @ x_marginal[None, :]  # [20,20]
    Qtb = alpha_t_bar * eye[None, :, :] + (1.0 - alpha_t_bar) * m_mat[None, :, :]  # [B,20,20]
    # per-token gather of transition matrices (memory-bound)
    Qtb_g = jnp.take(Qtb, batch, axis=0)  # [N,20,20]
    prob_X = jnp.squeeze(x[:, None, :NUM_CLASSES] @ Qtb_g, axis=1)  # [N,20]
    # multinomial(1) -> categorical sample per token
    X_t = jax.random.categorical(jax.random.key(1), jnp.log(prob_X + 1e-12), axis=-1)  # [N]
    noise_X = jax.nn.one_hot(X_t, NUM_CLASSES, dtype=jnp.float32)  # [N,20]
    return prob_X, noise_X, jnp.squeeze(alpha_t_bar)


if False:  # reference __main__ guard neutralized (emitter)
    out = reference(**setup_inputs())
    print([o.shape for o in out])

if __name__ == "__main__":
    import jax
    _d = setup_inputs()
    print(jax.jit(kernel)(*tuple(_d.values())))

</pallas_src>

<mosaic_0001>
#map = affine_map<(d0, d1) -> (0)>
module attributes {stable_mosaic.version = 14 : i64} {
  func.func @_sc_gather(%arg0: i32, %arg1: i32, %arg2: memref<512xf32, #tpu.memory_space<hbm>>, %arg3: memref<1024xi32, #tpu.memory_space<hbm>>, %arg4: memref<131072xi32, #tpu.memory_space<hbm>>, %arg5: memref<131072xf32, #tpu.memory_space<hbm>>, %arg6: memref<1024xf32, #tpu.memory_space<hbm>>, %arg7: memref<512xf32, #tpu.memory_space<vmem>>, %arg8: memref<1024xi32, #tpu.memory_space<vmem>>, %arg9: memref<4096xi32, #tpu.memory_space<vmem>>, %arg10: memref<4096xf32, #tpu.memory_space<vmem>>, %arg11: memref<32xf32, #tpu.memory_space<vmem>>) attributes {dimension_semantics = [#tpu.dimension_semantics<core_parallel>, #tpu.dimension_semantics<subcore_parallel>], iteration_bounds = array<i64: 2, 16>, scalar_prefetch = 0 : i64, scratch_operands = 5 : i64, tpu.core_type = #tpu.core_type<sc_vector_subcore>, window_params = [{transform_indices = #map}, {transform_indices = #map}, {transform_indices = #map}, {transform_indices = #map}, {transform_indices = #map}]} {
    %mul3A = arith.constant 2 : i32
    %mul3A_0 = arith.muli %arg1, %mul3A : i32
    %add3A = arith.addi %mul3A_0, %arg0 : i32
    %mul3A_1 = arith.constant 4096 : i32
    %mul3A_2 = arith.muli %add3A, %mul3A_1 : i32
    "tpu.region"() ({
      %run_scoped3A = tpu.sem_alloc : memref<!tpu.dma_semaphore, #tpu.memory_space<semaphore_mem>>
      tpu.enqueue_dma source(%arg2 : memref<512xf32, #tpu.memory_space<hbm>>) target(%arg7 : memref<512xf32, #tpu.memory_space<vmem>>) target_semaphore(%run_scoped3A : memref<!tpu.dma_semaphore, #tpu.memory_space<semaphore_mem>>)
      tpu.wait_dma2 semaphore(%run_scoped3A : memref<!tpu.dma_semaphore, #tpu.memory_space<semaphore_mem>>) src(%arg2 : memref<512xf32, #tpu.memory_space<hbm>>) dst(%arg7 : memref<512xf32, #tpu.memory_space<vmem>>)
      tpu.yield
    }) : () -> ()
    "tpu.region"() ({
      %run_scoped3A = tpu.sem_alloc : memref<!tpu.dma_semaphore, #tpu.memory_space<semaphore_mem>>
      tpu.enqueue_dma source(%arg3 : memref<1024xi32, #tpu.memory_space<hbm>>) target(%arg8 : memref<1024xi32, #tpu.memory_space<vmem>>) target_semaphore(%run_scoped3A : memref<!tpu.dma_semaphore, #tpu.memory_space<semaphore_mem>>)
      tpu.wait_dma2 semaphore(%run_scoped3A : memref<!tpu.dma_semaphore, #tpu.memory_space<semaphore_mem>>) src(%arg3 : memref<1024xi32, #tpu.memory_space<hbm>>) dst(%arg8 : memref<1024xi32, #tpu.memory_space<vmem>>)
      tpu.yield
    }) : () -> ()
    "tpu.region"() ({
      %run_scoped3A = tpu.sem_alloc : memref<!tpu.dma_semaphore, #tpu.memory_space<semaphore_mem>>
      %dma_start3A = tpu.memref_slice %arg4[%mul3A_2] : memref<131072xi32, #tpu.memory_space<hbm>> -> memref<4096xi32, #tpu.memory_space<hbm>>
      %dma_start3A_35 = tpu.memref_slice %arg4[%mul3A_2] : memref<131072xi32, #tpu.memory_space<hbm>> -> memref<4096xi32, #tpu.memory_space<hbm>>
      tpu.enqueue_dma source(%dma_start3A_35 : memref<4096xi32, #tpu.memory_space<hbm>>) target(%arg9 : memref<4096xi32, #tpu.memory_space<vmem>>) target_semaphore(%run_scoped3A : memref<!tpu.dma_semaphore, #tpu.memory_space<semaphore_mem>>)
      %dma_wait3A = tpu.memref_slice %arg4[%mul3A_2] : memref<131072xi32, #tpu.memory_space<hbm>> -> memref<4096xi32, #tpu.memory_space<hbm>>
      %dma_wait3A_36 = tpu.memref_slice %arg4[%mul3A_2] : memref<131072xi32, #tpu.memory_space<hbm>> -> memref<4096xi32, #tpu.memory_space<hbm>>
      tpu.wait_dma2 semaphore(%run_scoped3A : memref<!tpu.dma_semaphore, #tpu.memory_space<semaphore_mem>>) src(%dma_wait3A_36 : memref<4096xi32, #tpu.memory_space<hbm>>) dst(%arg9 : memref<4096xi32, #tpu.memory_space<vmem>>)
      tpu.yield
    }) : () -> ()
    %scan3A = arith.constant 0 : i32
    %scan3A_3 = arith.constant 0 : i32
    %scan3A_4 = arith.constant 256 : i32
    %scan3A_5 = arith.addi %scan3A_3, %scan3A_4 : i32
    %scan3A_6 = arith.constant 4 : i32
    scf.for %scan3A_35 = %scan3A_3 to %scan3A_5 step %scan3A_6  : i32 {
      %mul3A_36 = arith.constant 16 : i32
      %mul3A_37 = arith.muli %scan3A_35, %mul3A_36 : i32
      %get3A_38 = arith.index_cast %mul3A_37 : i32 to index
      %get3A_39 = tpu.vector_load %arg9[%get3A_38] {strides = array<i32>} : memref<4096xi32, #tpu.memory_space<vmem>>, vector<16xi32>,
      %gather3A_40 = tpu.vector_load_idx %arg8[%get3A_39] : memref<1024xi32, #tpu.memory_space<vmem>>[vector<16xi32>], vector<16xi32>,
      %gather3A_41 = tpu.vector_load_idx %arg7[%gather3A_40] : memref<512xf32, #tpu.memory_space<vmem>>[vector<16xi32>], vector<16xf32>,
      %swap3A_42 = arith.index_cast %mul3A_37 : i32 to index
      %swap3A_43 = tpu.vector_load %arg10[%swap3A_42] {strides = array<i32>} : memref<4096xf32, #tpu.memory_space<vmem>>, vector<16xf32>,
      tpu.vector_store %arg10[%swap3A_42], %gather3A_41 {strides = array<i32>} : memref<4096xf32, #tpu.memory_space<vmem>>, vector<16xf32>,
      %scan3A_44 = arith.constant 1 : i32
      %scan3A_45 = arith.addi %scan3A_35, %scan3A_44 : i32
      %mul3A_46 = arith.constant 16 : i32
      %mul3A_47 = arith.muli %scan3A_45, %mul3A_46 : i32
      %get3A_48 = arith.index_cast %mul3A_47 : i32 to index
      %get3A_49 = tpu.vector_load %arg9[%get3A_48] {strides = array<i32>} : memref<4096xi32, #tpu.memory_space<vmem>>, vector<16xi32>,
      %gather3A_50 = tpu.vector_load_idx %arg8[%get3A_49] : memref<1024xi32, #tpu.memory_space<vmem>>[vector<16xi32>], vector<16xi32>,
      %gather3A_51 = tpu.vector_load_idx %arg7[%gather3A_50] : memref<512xf32, #tpu.memory_space<vmem>>[vector<16xi32>], vector<16xf32>,
      %swap3A_52 = arith.index_cast %mul3A_47 : i32 to index
      %swap3A_53 = tpu.vector_load %arg10[%swap3A_52] {strides = array<i32>} : memref<4096xf32, #tpu.memory_space<vmem>>, vector<16xf32>,
      tpu.vector_store %arg10[%swap3A_52], %gather3A_51 {strides = array<i32>} : memref<4096xf32, #tpu.memory_space<vmem>>, vector<16xf32>,
      %scan3A_54 = arith.constant 2 : i32
      %scan3A_55 = arith.addi %scan3A_35, %scan3A_54 : i32
      %mul3A_56 = arith.constant 16 : i32
      %mul3A_57 = arith.muli %scan3A_55, %mul3A_56 : i32
      %get3A_58 = arith.index_cast %mul3A_57 : i32 to index
      %get3A_59 = tpu.vector_load %arg9[%get3A_58] {strides = array<i32>} : memref<4096xi32, #tpu.memory_space<vmem>>, vector<16xi32>,
      %gather3A_60 = tpu.vector_load_idx %arg8[%get3A_59] : memref<1024xi32, #tpu.memory_space<vmem>>[vector<16xi32>], vector<16xi32>,
      %gather3A_61 = tpu.vector_load_idx %arg7[%gather3A_60] : memref<512xf32, #tpu.memory_space<vmem>>[vector<16xi32>], vector<16xf32>,
      %swap3A_62 = arith.index_cast %mul3A_57 : i32 to index
      %swap3A_63 = tpu.vector_load %arg10[%swap3A_62] {strides = array<i32>} : memref<4096xf32, #tpu.memory_space<vmem>>, vector<16xf32>,
      tpu.vector_store %arg10[%swap3A_62], %gather3A_61 {strides = array<i32>} : memref<4096xf32, #tpu.memory_space<vmem>>, vector<16xf32>,
      %scan3A_64 = arith.constant 3 : i32
      %scan3A_65 = arith.addi %scan3A_35, %scan3A_64 : i32
      %mul3A_66 = arith.constant 16 : i32
      %mul3A_67 = arith.muli %scan3A_65, %mul3A_66 : i32
      %get3A_68 = arith.index_cast %mul3A_67 : i32 to index
      %get3A_69 = tpu.vector_load %arg9[%get3A_68] {strides = array<i32>} : memref<4096xi32, #tpu.memory_space<vmem>>, vector<16xi32>,
      %gather3A_70 = tpu.vector_load_idx %arg8[%get3A_69] : memref<1024xi32, #tpu.memory_space<vmem>>[vector<16xi32>], vector<16xi32>,
      %gather3A_71 = tpu.vector_load_idx %arg7[%gather3A_70] : memref<512xf32, #tpu.memory_space<vmem>>[vector<16xi32>], vector<16xf32>,
      %swap3A_72 = arith.index_cast %mul3A_67 : i32 to index
      %swap3A_73 = tpu.vector_load %arg10[%swap3A_72] {strides = array<i32>} : memref<4096xf32, #tpu.memory_space<vmem>>, vector<16xf32>,
      tpu.vector_store %arg10[%swap3A_72], %gather3A_71 {strides = array<i32>} : memref<4096xf32, #tpu.memory_space<vmem>>, vector<16xf32>,
    }
    %scan3A_7 = arith.constant 256 : i32
    "tpu.region"() ({
      %run_scoped3A = tpu.sem_alloc : memref<!tpu.dma_semaphore, #tpu.memory_space<semaphore_mem>>
      %dma_start3A = tpu.memref_slice %arg5[%mul3A_2] : memref<131072xf32, #tpu.memory_space<hbm>> -> memref<4096xf32, #tpu.memory_space<hbm>>
      %dma_start3A_35 = tpu.memref_slice %arg5[%mul3A_2] : memref<131072xf32, #tpu.memory_space<hbm>> -> memref<4096xf32, #tpu.memory_space<hbm>>
      tpu.enqueue_dma source(%arg10 : memref<4096xf32, #tpu.memory_space<vmem>>) target(%dma_start3A_35 : memref<4096xf32, #tpu.memory_space<hbm>>) target_semaphore(%run_scoped3A : memref<!tpu.dma_semaphore, #tpu.memory_space<semaphore_mem>>)
      %dma_wait3A = tpu.memref_slice %arg5[%mul3A_2] : memref<131072xf32, #tpu.memory_space<hbm>> -> memref<4096xf32, #tpu.memory_space<hbm>>
      %dma_wait3A_36 = tpu.memref_slice %arg5[%mul3A_2] : memref<131072xf32, #tpu.memory_space<hbm>> -> memref<4096xf32, #tpu.memory_space<hbm>>
      tpu.wait_dma2 semaphore(%run_scoped3A : memref<!tpu.dma_semaphore, #tpu.memory_space<semaphore_mem>>) src(%arg10 : memref<4096xf32, #tpu.memory_space<vmem>>) dst(%dma_wait3A_36 : memref<4096xf32, #tpu.memory_space<hbm>>)
      tpu.yield
    }) : () -> ()
    %scan3A_8 = arith.constant 0 : i32
    %scan3A_9 = arith.constant 0 : i32
    %mul3A_10 = arith.constant 16 : i32
    %mul3A_11 = arith.muli %scan3A_9, %mul3A_10 : i32
    %mul3A_12 = arith.constant 32 : i32
    %mul3A_13 = arith.muli %add3A, %mul3A_12 : i32
    %mul3A_14 = arith.constant 16 : i32
    %mul3A_15 = arith.muli %scan3A_9, %mul3A_14 : i32
    %add3A_16 = arith.addi %mul3A_13, %mul3A_15 : i32
    %get3A = arith.index_cast %add3A_16 : i32 to index
    %get3A_17 = tpu.vector_load %arg8[%get3A] {strides = array<i32>} : memref<1024xi32, #tpu.memory_space<vmem>>, vector<16xi32>,
    %gather3A = tpu.vector_load_idx %arg7[%get3A_17] : memref<512xf32, #tpu.memory_space<vmem>>[vector<16xi32>], vector<16xf32>,
    %swap3A = arith.index_cast %mul3A_11 : i32 to index
    %swap3A_18 = tpu.vector_load %arg11[%swap3A] {strides = array<i32>} : memref<32xf32, #tpu.memory_space<vmem>>, vector<16xf32>,
    tpu.vector_store %arg11[%swap3A], %gather3A {strides = array<i32>} : memref<32xf32, #tpu.memory_space<vmem>>, vector<16xf32>,
    %scan3A_19 = arith.constant 1 : i32
    %mul3A_20 = arith.constant 16 : i32
    %mul3A_21 = arith.muli %scan3A_19, %mul3A_20 : i32
    %mul3A_22 = arith.constant 32 : i32
    %mul3A_23 = arith.muli %add3A, %mul3A_22 : i32
    %mul3A_24 = arith.constant 16 : i32
    %mul3A_25 = arith.muli %scan3A_19, %mul3A_24 : i32
    %add3A_26 = arith.addi %mul3A_23, %mul3A_25 : i32
    %get3A_27 = arith.index_cast %add3A_26 : i32 to index
    %get3A_28 = tpu.vector_load %arg8[%get3A_27] {strides = array<i32>} : memref<1024xi32, #tpu.memory_space<vmem>>, vector<16xi32>,
    %gather3A_29 = tpu.vector_load_idx %arg7[%get3A_28] : memref<512xf32, #tpu.memory_space<vmem>>[vector<16xi32>], vector<16xf32>,
    %swap3A_30 = arith.index_cast %mul3A_21 : i32 to index
    %swap3A_31 = tpu.vector_load %arg11[%swap3A_30] {strides = array<i32>} : memref<32xf32, #tpu.memory_space<vmem>>, vector<16xf32>,
    tpu.vector_store %arg11[%swap3A_30], %gather3A_29 {strides = array<i32>} : memref<32xf32, #tpu.memory_space<vmem>>, vector<16xf32>,
    %scan3A_32 = arith.constant 2 : i32
    %mul3A_33 = arith.constant 32 : i32
    %mul3A_34 = arith.muli %add3A, %mul3A_33 : i32
    "tpu.region"() ({
      %run_scoped3A = tpu.sem_alloc : memref<!tpu.dma_semaphore, #tpu.memory_space<semaphore_mem>>
      %dma_start3A = tpu.memref_slice %arg6[%mul3A_34] : memref<1024xf32, #tpu.memory_space<hbm>> -> memref<32xf32, #tpu.memory_space<hbm>>
      %dma_start3A_35 = tpu.memref_slice %arg6[%mul3A_34] : memref<1024xf32, #tpu.memory_space<hbm>> -> memref<32xf32, #tpu.memory_space<hbm>>
      tpu.enqueue_dma source(%arg11 : memref<32xf32, #tpu.memory_space<vmem>>) target(%dma_start3A_35 : memref<32xf32, #tpu.memory_space<hbm>>) target_semaphore(%run_scoped3A : memref<!tpu.dma_semaphore, #tpu.memory_space<semaphore_mem>>)
      %dma_wait3A = tpu.memref_slice %arg6[%mul3A_34] : memref<1024xf32, #tpu.memory_space<hbm>> -> memref<32xf32, #tpu.memory_space<hbm>>
      %dma_wait3A_36 = tpu.memref_slice %arg6[%mul3A_34] : memref<1024xf32, #tpu.memory_space<hbm>> -> memref<32xf32, #tpu.memory_space<hbm>>
      tpu.wait_dma2 semaphore(%run_scoped3A : memref<!tpu.dma_semaphore, #tpu.memory_space<semaphore_mem>>) src(%arg11 : memref<32xf32, #tpu.memory_space<vmem>>) dst(%dma_wait3A_36 : memref<32xf32, #tpu.memory_space<hbm>>)
      tpu.yield
    }) : () -> ()
    return
  }
}

module attributes {stable_mosaic.version = 14 : i64} {
  func.func @_tc_body(%arg0: i32, %arg1: memref<8192x20xf32, #tpu.memory_space<vmem>>, %arg2: memref<8192xf32, #tpu.memory_space<vmem>>, %arg3: memref<20x1xf32, #tpu.memory_space<vmem>>, %arg4: memref<8192x20xf32, #tpu.memory_space<vmem>>, %arg5: memref<8192x20xf32, #tpu.memory_space<vmem>>) attributes {dimension_semantics = [#tpu.dimension_semantics<arbitrary>], iteration_bounds = array<i64: 16>, scalar_prefetch = 0 : i64, scratch_operands = 0 : i64, tpu.core_type = #tpu.core_type<tc>, window_params = [{transform_indices = @transform_0, window_bounds = array<i64: 8192, 20>}, {transform_indices = @transform_1, window_bounds = array<i64: 8192>}, {pipeline_mode = #tpu.pipeline_mode<synchronous>, transform_indices = @transform_2, window_bounds = array<i64: 20, 1>}, {transform_indices = @transform_3, window_bounds = array<i64: 8192, 20>}, {transform_indices = @transform_4, window_bounds = array<i64: 8192, 20>}]} {
    %get3A = arith.constant 0 : index
    %get3A_0 = arith.constant 0 : index
    %get3A_1 = vector.load %arg1[%get3A, %get3A_0] : memref<8192x20xf32, #tpu.memory_space<vmem>>, vector<8192x20xf32>
    %get3A_2 = arith.constant 0 : index
    %get3A_3 = vector.load %arg2[%get3A_2] : memref<8192xf32, #tpu.memory_space<vmem>>, vector<8192xf32>
    %get3A_4 = arith.constant 0 : index
    %get3A_5 = arith.constant 0 : index
    %get3A_6 = vector.load %arg3[%get3A_4, %get3A_5] : memref<20x1xf32, #tpu.memory_space<vmem>>, vector<20x1xf32>
    %transpose3A = tpu.transpose %get3A_1, [1, 0] : vector<8192x20xf32> -> vector<20x8192xf32>
    %reshape3A = vector.shape_cast %get3A_3 : vector<8192xf32> to vector<1x8192xf32>
    %reduce_sum3A = arith.constant dense<0.000000e+00> : vector<8192xf32>
    %reduce_sum3A_7 = vector.multi_reduction <add>, %transpose3A, %reduce_sum3A [0] : vector<20x8192xf32> to vector<8192xf32>
    %broadcast_in_dim3A = vector.shape_cast %reduce_sum3A_7 : vector<8192xf32> to vector<1x8192xf32>
    %mul3A = vector.broadcast %reshape3A : vector<1x8192xf32> to vector<20x8192xf32>
    %mul3A_8 = arith.mulf %mul3A, %transpose3A : vector<20x8192xf32>
    %sub3A = arith.constant 1.000000e+00 : f32
    %sub3A_9 = vector.broadcast %sub3A : f32 to vector<1x8192xf32>
    %sub3A_10 = arith.subf %sub3A_9, %reshape3A : vector<1x8192xf32>
    %mul3A_11 = arith.mulf %sub3A_10, %broadcast_in_dim3A : vector<1x8192xf32>
    %mul3A_12 = vector.broadcast %mul3A_11 : vector<1x8192xf32> to vector<20x8192xf32>
    %mul3A_13 = vector.broadcast %get3A_6 : vector<20x1xf32> to vector<20x8192xf32>
    %mul3A_14 = arith.mulf %mul3A_12, %mul3A_13 : vector<20x8192xf32>
    %add3A = arith.addf %mul3A_8, %mul3A_14 : vector<20x8192xf32>
    %mul3A_15 = arith.constant 163840 : i32
    %mul3A_16 = arith.muli %arg0, %mul3A_15 : i32
    %iota3A = tpu.iota {dimensions = array<i32: 1>} : vector<20x8192xi32>
    %mul3A_17 = arith.constant 20 : i32
    %mul3A_18 = vector.broadcast %mul3A_17 : i32 to vector<20x8192xi32>
    %mul3A_19 = arith.muli %iota3A, %mul3A_18 : vector<20x8192xi32>
    %add3A_20 = vector.broadcast %mul3A_16 : i32 to vector<20x8192xi32>
    %add3A_21 = arith.addi %add3A_20, %mul3A_19 : vector<20x8192xi32>
    %iota3A_22 = tpu.iota {dimensions = array<i32: 0>} : vector<20x8192xi32>
    %add3A_23 = arith.addi %add3A_21, %iota3A_22 : vector<20x8192xi32>
    %broadcast_in_dim3A_24 = arith.constant 0 : i32
    %broadcast_in_dim3A_25 = vector.broadcast %broadcast_in_dim3A_24 : i32 to vector<20x8192xi32>
    %add3A_26 = arith.constant 1 : i32
    %add3A_27 = vector.broadcast %add3A_26 : i32 to vector<20x8192xi32>
    %add3A_28 = arith.addi %add3A_23, %add3A_27 : vector<20x8192xi32>
    %add3A_29 = arith.addi %broadcast_in_dim3A_25, %add3A_28 : vector<20x8192xi32>
    %shift_left3A = arith.constant 13 : i32
    %shift_left3A_30 = vector.broadcast %shift_left3A : i32 to vector<20x8192xi32>
    %shift_left3A_31 = arith.shli %add3A_28, %shift_left3A_30 : vector<20x8192xi32>
    %shift_right_logical3A = arith.constant 19 : i32
    %shift_right_logical3A_32 = vector.broadcast %shift_right_logical3A : i32 to vector<20x8192xi32>
    %shift_right_logical3A_33 = arith.shrui %add3A_28, %shift_right_logical3A_32 : vector<20x8192xi32>
    %or3A = arith.ori %shift_left3A_31, %shift_right_logical3A_33 : vector<20x8192xi32>
    %xor3A = arith.xori %add3A_29, %or3A : vector<20x8192xi32>
    %add3A_34 = arith.addi %add3A_29, %xor3A : vector<20x8192xi32>
    %shift_left3A_35 = arith.constant 15 : i32
    %shift_left3A_36 = vector.broadcast %shift_left3A_35 : i32 to vector<20x8192xi32>
    %shift_left3A_37 = arith.shli %xor3A, %shift_left3A_36 : vector<20x8192xi32>
    %shift_right_logical3A_38 = arith.constant 17 : i32
    %shift_right_logical3A_39 = vector.broadcast %shift_right_logical3A_38 : i32 to vector<20x8192xi32>
    %shift_right_logical3A_40 = arith.shrui %xor3A, %shift_right_logical3A_39 : vector<20x8192xi32>
    %or3A_41 = arith.ori %shift_left3A_37, %shift_right_logical3A_40 : vector<20x8192xi32>
    %xor3A_42 = arith.xori %add3A_34, %or3A_41 : vector<20x8192xi32>
    %add3A_43 = arith.addi %add3A_34, %xor3A_42 : vector<20x8192xi32>
    %shift_left3A_44 = arith.constant 26 : i32
    %shift_left3A_45 = vector.broadcast %shift_left3A_44 : i32 to vector<20x8192xi32>
    %shift_left3A_46 = arith.shli %xor3A_42, %shift_left3A_45 : vector<20x8192xi32>
    %shift_right_logical3A_47 = arith.constant 6 : i32
    %shift_right_logical3A_48 = vector.broadcast %shift_right_logical3A_47 : i32 to vector<20x8192xi32>
    %shift_right_logical3A_49 = arith.shrui %xor3A_42, %shift_right_logical3A_48 : vector<20x8192xi32>
    %or3A_50 = arith.ori %shift_left3A_46, %shift_right_logical3A_49 : vector<20x8192xi32>
    %xor3A_51 = arith.xori %add3A_43, %or3A_50 : vector<20x8192xi32>
    %add3A_52 = arith.addi %add3A_43, %xor3A_51 : vector<20x8192xi32>
    %shift_left3A_53 = arith.constant 6 : i32
    %shift_left3A_54 = vector.broadcast %shift_left3A_53 : i32 to vector<20x8192xi32>
    %shift_left3A_55 = arith.shli %xor3A_51, %shift_left3A_54 : vector<20x8192xi32>
    %shift_right_logical3A_56 = arith.constant 26 : i32
    %shift_right_logical3A_57 = vector.broadcast %shift_right_logical3A_56 : i32 to vector<20x8192xi32>
    %shift_right_logical3A_58 = arith.shrui %xor3A_51, %shift_right_logical3A_57 : vector<20x8192xi32>
    %or3A_59 = arith.ori %shift_left3A_55, %shift_right_logical3A_58 : vector<20x8192xi32>
    %xor3A_60 = arith.xori %add3A_52, %or3A_59 : vector<20x8192xi32>
    %add3A_61 = arith.constant 1 : i32
    %add3A_62 = vector.broadcast %add3A_61 : i32 to vector<20x8192xi32>
    %add3A_63 = arith.addi %add3A_52, %add3A_62 : vector<20x8192xi32>
    %add3A_64 = arith.constant 466688987 : i32
    %add3A_65 = arith.constant 1 : i32
    %add3A_66 = arith.addi %add3A_64, %add3A_65 : i32
    %add3A_67 = vector.broadcast %add3A_66 : i32 to vector<20x8192xi32>
    %add3A_68 = arith.addi %xor3A_60, %add3A_67 : vector<20x8192xi32>
    %add3A_69 = arith.addi %add3A_63, %add3A_68 : vector<20x8192xi32>
    %shift_left3A_70 = arith.constant 17 : i32
    %shift_left3A_71 = vector.broadcast %shift_left3A_70 : i32 to vector<20x8192xi32>
    %shift_left3A_72 = arith.shli %add3A_68, %shift_left3A_71 : vector<20x8192xi32>
    %shift_right_logical3A_73 = arith.constant 15 : i32
    %shift_right_logical3A_74 = vector.broadcast %shift_right_logical3A_73 : i32 to vector<20x8192xi32>
    %shift_right_logical3A_75 = arith.shrui %add3A_68, %shift_right_logical3A_74 : vector<20x8192xi32>
    %or3A_76 = arith.ori %shift_left3A_72, %shift_right_logical3A_75 : vector<20x8192xi32>
    %xor3A_77 = arith.xori %add3A_69, %or3A_76 : vector<20x8192xi32>
    %add3A_78 = arith.addi %add3A_69, %xor3A_77 : vector<20x8192xi32>
    %shift_left3A_79 = arith.constant 29 : i32
    %shift_left3A_80 = vector.broadcast %shift_left3A_79 : i32 to vector<20x8192xi32>
    %shift_left3A_81 = arith.shli %xor3A_77, %shift_left3A_80 : vector<20x8192xi32>
    %shift_right_logical3A_82 = arith.constant 3 : i32
    %shift_right_logical3A_83 = vector.broadcast %shift_right_logical3A_82 : i32 to vector<20x8192xi32>
    %shift_right_logical3A_84 = arith.shrui %xor3A_77, %shift_right_logical3A_83 : vector<20x8192xi32>
    %or3A_85 = arith.ori %shift_left3A_81, %shift_right_logical3A_84 : vector<20x8192xi32>
    %xor3A_86 = arith.xori %add3A_78, %or3A_85 : vector<20x8192xi32>
    %add3A_87 = arith.addi %add3A_78, %xor3A_86 : vector<20x8192xi32>
    %shift_left3A_88 = arith.constant 16 : i32
    %shift_left3A_89 = vector.broadcast %shift_left3A_88 : i32 to vector<20x8192xi32>
    %shift_left3A_90 = arith.shli %xor3A_86, %shift_left3A_89 : vector<20x8192xi32>
    %shift_right_logical3A_91 = arith.constant 16 : i32
    %shift_right_logical3A_92 = vector.broadcast %shift_right_logical3A_91 : i32 to vector<20x8192xi32>
    %shift_right_logical3A_93 = arith.shrui %xor3A_86, %shift_right_logical3A_92 : vector<20x8192xi32>
    %or3A_94 = arith.ori %shift_left3A_90, %shift_right_logical3A_93 : vector<20x8192xi32>
    %xor3A_95 = arith.xori %add3A_87, %or3A_94 : vector<20x8192xi32>
    %add3A_96 = arith.addi %add3A_87, %xor3A_95 : vector<20x8192xi32>
    %shift_left3A_97 = arith.constant 24 : i32
    %shift_left3A_98 = vector.broadcast %shift_left3A_97 : i32 to vector<20x8192xi32>
    %shift_left3A_99 = arith.shli %xor3A_95, %shift_left3A_98 : vector<20x8192xi32>
    %shift_right_logical3A_100 = arith.constant 8 : i32
    %shift_right_logical3A_101 = vector.broadcast %shift_right_logical3A_100 : i32 to vector<20x8192xi32>
    %shift_right_logical3A_102 = arith.shrui %xor3A_95, %shift_right_logical3A_101 : vector<20x8192xi32>
    %or3A_103 = arith.ori %shift_left3A_99, %shift_right_logical3A_102 : vector<20x8192xi32>
    %xor3A_104 = arith.xori %add3A_96, %or3A_103 : vector<20x8192xi32>
    %add3A_105 = arith.constant 466688987 : i32
    %add3A_106 = vector.broadcast %add3A_105 : i32 to vector<20x8192xi32>
    %add3A_107 = arith.addi %add3A_96, %add3A_106 : vector<20x8192xi32>
    %add3A_108 = arith.constant 2 : i32
    %add3A_109 = vector.broadcast %add3A_108 : i32 to vector<20x8192xi32>
    %add3A_110 = arith.addi %xor3A_104, %add3A_109 : vector<20x8192xi32>
    %add3A_111 = arith.addi %add3A_107, %add3A_110 : vector<20x8192xi32>
    %shift_left3A_112 = arith.constant 13 : i32
    %shift_left3A_113 = vector.broadcast %shift_left3A_112 : i32 to vector<20x8192xi32>
    %shift_left3A_114 = arith.shli %add3A_110, %shift_left3A_113 : vector<20x8192xi32>
    %shift_right_logical3A_115 = arith.constant 19 : i32
    %shift_right_logical3A_116 = vector.broadcast %shift_right_logical3A_115 : i32 to vector<20x8192xi32>
    %shift_right_logical3A_117 = arith.shrui %add3A_110, %shift_right_logical3A_116 : vector<20x8192xi32>
    %or3A_118 = arith.ori %shift_left3A_114, %shift_right_logical3A_117 : vector<20x8192xi32>
    %xor3A_119 = arith.xori %add3A_111, %or3A_118 : vector<20x8192xi32>
    %add3A_120 = arith.addi %add3A_111, %xor3A_119 : vector<20x8192xi32>
    %shift_left3A_121 = arith.constant 15 : i32
    %shift_left3A_122 = vector.broadcast %shift_left3A_121 : i32 to vector<20x8192xi32>
    %shift_left3A_123 = arith.shli %xor3A_119, %shift_left3A_122 : vector<20x8192xi32>
    %shift_right_logical3A_124 = arith.constant 17 : i32
    %shift_right_logical3A_125 = vector.broadcast %shift_right_logical3A_124 : i32 to vector<20x8192xi32>
    %shift_right_logical3A_126 = arith.shrui %xor3A_119, %shift_right_logical3A_125 : vector<20x8192xi32>
    %or3A_127 = arith.ori %shift_left3A_123, %shift_right_logical3A_126 : vector<20x8192xi32>
    %xor3A_128 = arith.xori %add3A_120, %or3A_127 : vector<20x8192xi32>
    %add3A_129 = arith.addi %add3A_120, %xor3A_128 : vector<20x8192xi32>
    %shift_left3A_130 = arith.constant 26 : i32
    %shift_left3A_131 = vector.broadcast %shift_left3A_130 : i32 to vector<20x8192xi32>
    %shift_left3A_132 = arith.shli %xor3A_128, %shift_left3A_131 : vector<20x8192xi32>
    %shift_right_logical3A_133 = arith.constant 6 : i32
    %shift_right_logical3A_134 = vector.broadcast %shift_right_logical3A_133 : i32 to vector<20x8192xi32>
    %shift_right_logical3A_135 = arith.shrui %xor3A_128, %shift_right_logical3A_134 : vector<20x8192xi32>
    %or3A_136 = arith.ori %shift_left3A_132, %shift_right_logical3A_135 : vector<20x8192xi32>
    %xor3A_137 = arith.xori %add3A_129, %or3A_136 : vector<20x8192xi32>
    %add3A_138 = arith.addi %add3A_129, %xor3A_137 : vector<20x8192xi32>
    %shift_left3A_139 = arith.constant 6 : i32
    %shift_left3A_140 = vector.broadcast %shift_left3A_139 : i32 to vector<20x8192xi32>
    %shift_left3A_141 = arith.shli %xor3A_137, %shift_left3A_140 : vector<20x8192xi32>
    %shift_right_logical3A_142 = arith.constant 26 : i32
    %shift_right_logical3A_143 = vector.broadcast %shift_right_logical3A_142 : i32 to vector<20x8192xi32>
    %shift_right_logical3A_144 = arith.shrui %xor3A_137, %shift_right_logical3A_143 : vector<20x8192xi32>
    %or3A_145 = arith.ori %shift_left3A_141, %shift_right_logical3A_144 : vector<20x8192xi32>
    %xor3A_146 = arith.xori %add3A_138, %or3A_145 : vector<20x8192xi32>
    %add3A_147 = arith.constant 1 : i32
    %add3A_148 = arith.constant 3 : i32
    %add3A_149 = arith.addi %add3A_147, %add3A_148 : i32
    %add3A_150 = vector.broadcast %add3A_149 : i32 to vector<20x8192xi32>
    %add3A_151 = arith.addi %xor3A_146, %add3A_150 : vector<20x8192xi32>
    %add3A_152 = arith.addi %add3A_138, %add3A_151 : vector<20x8192xi32>
    %shift_left3A_153 = arith.constant 17 : i32
    %shift_left3A_154 = vector.broadcast %shift_left3A_153 : i32 to vector<20x8192xi32>
    %shift_left3A_155 = arith.shli %add3A_151, %shift_left3A_154 : vector<20x8192xi32>
    %shift_right_logical3A_156 = arith.constant 15 : i32
    %shift_right_logical3A_157 = vector.broadcast %shift_right_logical3A_156 : i32 to vector<20x8192xi32>
    %shift_right_logical3A_158 = arith.shrui %add3A_151, %shift_right_logical3A_157 : vector<20x8192xi32>
    %or3A_159 = arith.ori %shift_left3A_155, %shift_right_logical3A_158 : vector<20x8192xi32>
    %xor3A_160 = arith.xori %add3A_152, %or3A_159 : vector<20x8192xi32>
    %add3A_161 = arith.addi %add3A_152, %xor3A_160 : vector<20x8192xi32>
    %shift_left3A_162 = arith.constant 29 : i32
    %shift_left3A_163 = vector.broadcast %shift_left3A_162 : i32 to vector<20x8192xi32>
    %shift_left3A_164 = arith.shli %xor3A_160, %shift_left3A_163 : vector<20x8192xi32>
    %shift_right_logical3A_165 = arith.constant 3 : i32
    %shift_right_logical3A_166 = vector.broadcast %shift_right_logical3A_165 : i32 to vector<20x8192xi32>
    %shift_right_logical3A_167 = arith.shrui %xor3A_160, %shift_right_logical3A_166 : vector<20x8192xi32>
    %or3A_168 = arith.ori %shift_left3A_164, %shift_right_logical3A_167 : vector<20x8192xi32>
    %xor3A_169 = arith.xori %add3A_161, %or3A_168 : vector<20x8192xi32>
    %add3A_170 = arith.addi %add3A_161, %xor3A_169 : vector<20x8192xi32>
    %shift_left3A_171 = arith.constant 16 : i32
    %shift_left3A_172 = vector.broadcast %shift_left3A_171 : i32 to vector<20x8192xi32>
    %shift_left3A_173 = arith.shli %xor3A_169, %shift_left3A_172 : vector<20x8192xi32>
    %shift_right_logical3A_174 = arith.constant 16 : i32
    %shift_right_logical3A_175 = vector.broadcast %shift_right_logical3A_174 : i32 to vector<20x8192xi32>
    %shift_right_logical3A_176 = arith.shrui %xor3A_169, %shift_right_logical3A_175 : vector<20x8192xi32>
    %or3A_177 = arith.ori %shift_left3A_173, %shift_right_logical3A_176 : vector<20x8192xi32>
    %xor3A_178 = arith.xori %add3A_170, %or3A_177 : vector<20x8192xi32>
    %add3A_179 = arith.addi %add3A_170, %xor3A_178 : vector<20x8192xi32>
    %shift_left3A_180 = arith.constant 24 : i32
    %shift_left3A_181 = vector.broadcast %shift_left3A_180 : i32 to vector<20x8192xi32>
    %shift_left3A_182 = arith.shli %xor3A_178, %shift_left3A_181 : vector<20x8192xi32>
    %shift_right_logical3A_183 = arith.constant 8 : i32
    %shift_right_logical3A_184 = vector.broadcast %shift_right_logical3A_183 : i32 to vector<20x8192xi32>
    %shift_right_logical3A_185 = arith.shrui %xor3A_178, %shift_right_logical3A_184 : vector<20x8192xi32>
    %or3A_186 = arith.ori %shift_left3A_182, %shift_right_logical3A_185 : vector<20x8192xi32>
    %xor3A_187 = arith.xori %add3A_179, %or3A_186 : vector<20x8192xi32>
    %add3A_188 = arith.constant 1 : i32
    %add3A_189 = vector.broadcast %add3A_188 : i32 to vector<20x8192xi32>
    %add3A_190 = arith.addi %add3A_179, %add3A_189 : vector<20x8192xi32>
    %add3A_191 = arith.constant 466688987 : i32
    %add3A_192 = arith.constant 4 : i32
    %add3A_193 = arith.addi %add3A_191, %add3A_192 : i32
    %add3A_194 = vector.broadcast %add3A_193 : i32 to vector<20x8192xi32>
    %add3A_195 = arith.addi %xor3A_187, %add3A_194 : vector<20x8192xi32>
    %add3A_196 = arith.addi %add3A_190, %add3A_195 : vector<20x8192xi32>
    %shift_left3A_197 = arith.constant 13 : i32
    %shift_left3A_198 = vector.broadcast %shift_left3A_197 : i32 to vector<20x8192xi32>
    %shift_left3A_199 = arith.shli %add3A_195, %shift_left3A_198 : vector<20x8192xi32>
    %shift_right_logical3A_200 = arith.constant 19 : i32
    %shift_right_logical3A_201 = vector.broadcast %shift_right_logical3A_200 : i32 to vector<20x8192xi32>
    %shift_right_logical3A_202 = arith.shrui %add3A_195, %shift_right_logical3A_201 : vector<20x8192xi32>
    %or3A_203 = arith.ori %shift_left3A_199, %shift_right_logical3A_202 : vector<20x8192xi32>
    %xor3A_204 = arith.xori %add3A_196, %or3A_203 : vector<20x8192xi32>
    %add3A_205 = arith.addi %add3A_196, %xor3A_204 : vector<20x8192xi32>
    %shift_left3A_206 = arith.constant 15 : i32
    %shift_left3A_207 = vector.broadcast %shift_left3A_206 : i32 to vector<20x8192xi32>
    %shift_left3A_208 = arith.shli %xor3A_204, %shift_left3A_207 : vector<20x8192xi32>
    %shift_right_logical3A_209 = arith.constant 17 : i32
    %shift_right_logical3A_210 = vector.broadcast %shift_right_logical3A_209 : i32 to vector<20x8192xi32>
    %shift_right_logical3A_211 = arith.shrui %xor3A_204, %shift_right_logical3A_210 : vector<20x8192xi32>
    %or3A_212 = arith.ori %shift_left3A_208, %shift_right_logical3A_211 : vector<20x8192xi32>
    %xor3A_213 = arith.xori %add3A_205, %or3A_212 : vector<20x8192xi32>
    %add3A_214 = arith.addi %add3A_205, %xor3A_213 : vector<20x8192xi32>
    %shift_left3A_215 = arith.constant 26 : i32
    %shift_left3A_216 = vector.broadcast %shift_left3A_215 : i32 to vector<20x8192xi32>
    %shift_left3A_217 = arith.shli %xor3A_213, %shift_left3A_216 : vector<20x8192xi32>
    %shift_right_logical3A_218 = arith.constant 6 : i32
    %shift_right_logical3A_219 = vector.broadcast %shift_right_logical3A_218 : i32 to vector<20x8192xi32>
    %shift_right_logical3A_220 = arith.shrui %xor3A_213, %shift_right_logical3A_219 : vector<20x8192xi32>
    %or3A_221 = arith.ori %shift_left3A_217, %shift_right_logical3A_220 : vector<20x8192xi32>
    %xor3A_222 = arith.xori %add3A_214, %or3A_221 : vector<20x8192xi32>
    %add3A_223 = arith.addi %add3A_214, %xor3A_222 : vector<20x8192xi32>
    %shift_left3A_224 = arith.constant 6 : i32
    %shift_left3A_225 = vector.broadcast %shift_left3A_224 : i32 to vector<20x8192xi32>
    %shift_left3A_226 = arith.shli %xor3A_222, %shift_left3A_225 : vector<20x8192xi32>
    %shift_right_logical3A_227 = arith.constant 26 : i32
    %shift_right_logical3A_228 = vector.broadcast %shift_right_logical3A_227 : i32 to vector<20x8192xi32>
    %shift_right_logical3A_229 = arith.shrui %xor3A_222, %shift_right_logical3A_228 : vector<20x8192xi32>
    %or3A_230 = arith.ori %shift_left3A_226, %shift_right_logical3A_229 : vector<20x8192xi32>
    %xor3A_231 = arith.xori %add3A_223, %or3A_230 : vector<20x8192xi32>
    %add3A_232 = arith.constant 466688987 : i32
    %add3A_233 = vector.broadcast %add3A_232 : i32 to vector<20x8192xi32>
    %add3A_234 = arith.addi %add3A_223, %add3A_233 : vector<20x8192xi32>
    %add3A_235 = arith.constant 5 : i32
    %add3A_236 = vector.broadcast %add3A_235 : i32 to vector<20x8192xi32>
    %add3A_237 = arith.addi %xor3A_231, %add3A_236 : vector<20x8192xi32>
    %xor3A_238 = arith.xori %add3A_234, %add3A_237 : vector<20x8192xi32>
    %shift_right_logical3A_239 = arith.constant 9 : i32
    %shift_right_logical3A_240 = vector.broadcast %shift_right_logical3A_239 : i32 to vector<20x8192xi32>
    %shift_right_logical3A_241 = arith.shrui %xor3A_238, %shift_right_logical3A_240 : vector<20x8192xi32>
    %or3A_242 = arith.constant 1065353216 : i32
    %or3A_243 = vector.broadcast %or3A_242 : i32 to vector<20x8192xi32>
    %or3A_244 = arith.ori %shift_right_logical3A_241, %or3A_243 : vector<20x8192xi32>
    %bitcast_convert_type3A = tpu.bitcast %or3A_244 : vector<20x8192xi32> -> vector<20x8192xf32>
    %sub3A_245 = arith.constant 1.000000e+00 : f32
    %sub3A_246 = vector.broadcast %sub3A_245 : f32 to vector<20x8192xf32>
    %sub3A_247 = arith.subf %bitcast_convert_type3A, %sub3A_246 : vector<20x8192xf32>
    %max3A = arith.constant 1.17549435E-38 : f32
    %max3A_248 = vector.broadcast %max3A : f32 to vector<20x8192xf32>
    %max3A_249 = arith.maximumf %sub3A_247, %max3A_248 : vector<20x8192xf32>
    %log3A = math.log %max3A_249 : vector<20x8192xf32>
    %add3A_250 = arith.constant 9.99999996E-13 : f32
    %add3A_251 = vector.broadcast %add3A_250 : f32 to vector<20x8192xf32>
    %add3A_252 = arith.addf %add3A, %add3A_251 : vector<20x8192xf32>
    %div3A = arith.divf %log3A, %add3A_252 : vector<20x8192xf32>
    %reduce_max3A = arith.constant dense<0xFF800000> : vector<8192xf32>
    %reduce_max3A_253 = vector.multi_reduction <maximumf>, %div3A, %reduce_max3A [0] : vector<20x8192xf32> to vector<8192xf32>
    %broadcast_in_dim3A_254 = vector.shape_cast %reduce_max3A_253 : vector<8192xf32> to vector<1x8192xf32>
    %iota3A_255 = tpu.iota {dimensions = array<i32: 0>} : vector<20x8192xi32>
    %eq3A = vector.broadcast %broadcast_in_dim3A_254 : vector<1x8192xf32> to vector<20x8192xf32>
    %eq3A_256 = arith.cmpf oeq, %div3A, %eq3A : vector<20x8192xf32>
    %jit3A = arith.constant 20 : i32
    %broadcast_in_dim3A_257 = vector.broadcast %jit3A : i32 to vector<20x8192xi32>
    %select_n3A = arith.select %eq3A_256, %iota3A_255, %broadcast_in_dim3A_257 : vector<20x8192xi1>, vector<20x8192xi32>
    %reduce_min3A = arith.constant dense<2147483647> : vector<8192xi32>
    %reduce_min3A_258 = vector.multi_reduction <minsi>, %select_n3A, %reduce_min3A [0] : vector<20x8192xi32> to vector<8192xi32>
    %broadcast_in_dim3A_259 = vector.shape_cast %reduce_min3A_258 : vector<8192xi32> to vector<1x8192xi32>
    %eq3A_260 = vector.broadcast %broadcast_in_dim3A_259 : vector<1x8192xi32> to vector<20x8192xi32>
    %eq3A_261 = arith.cmpi eq, %iota3A_255, %eq3A_260 : vector<20x8192xi32>
    %convert_element_type3A = arith.extui %eq3A_261 : vector<20x8192xi1> to vector<20x8192xi32>
    %convert_element_type3A_262 = arith.sitofp %convert_element_type3A : vector<20x8192xi32> to vector<20x8192xf32>
    %transpose3A_263 = tpu.transpose %add3A, [1, 0] : vector<20x8192xf32> -> vector<8192x20xf32>
    %swap3A = arith.constant 0 : index
    %swap3A_264 = arith.constant 0 : index
    %swap3A_265 = vector.load %arg4[%swap3A, %swap3A_264] : memref<8192x20xf32, #tpu.memory_space<vmem>>, vector<8192x20xf32>
    tpu.vector_store %arg4[%swap3A, %swap3A_264], %transpose3A_263 {strides = array<i32>} : memref<8192x20xf32, #tpu.memory_space<vmem>>, vector<8192x20xf32>,
    %transpose3A_266 = tpu.transpose %convert_element_type3A_262, [1, 0] : vector<20x8192xf32> -> vector<8192x20xf32>
    %swap3A_267 = arith.constant 0 : index
    %swap3A_268 = arith.constant 0 : index
    %swap3A_269 = vector.load %arg5[%swap3A_267, %swap3A_268] : memref<8192x20xf32, #tpu.memory_space<vmem>>, vector<8192x20xf32>
    tpu.vector_store %arg5[%swap3A_267, %swap3A_268], %transpose3A_266 {strides = array<i32>} : memref<8192x20xf32, #tpu.memory_space<vmem>>, vector<8192x20xf32>,
    return
  }
  func.func @transform_0(%arg0: i32) -> (i32, i32) {
    %c0_i32 = arith.constant 0 : i32
    %c0_i32_0 = arith.constant 0 : i32
    return %arg0, %c0_i32 : i32, i32
  }
  func.func @transform_1(%arg0: i32) -> i32 {
    %c0_i32 = arith.constant 0 : i32
    return %arg0 : i32
  }
  func.func @transform_2(%arg0: i32) -> (i32, i32) {
    %c0_i32 = arith.constant 0 : i32
    %c0_i32_0 = arith.constant 0 : i32
    %c0_i32_1 = arith.constant 0 : i32
    return %c0_i32, %c0_i32_0 : i32, i32
  }
  func.func @transform_3(%arg0: i32) -> (i32, i32) {
    %c0_i32 = arith.constant 0 : i32
    %c0_i32_0 = arith.constant 0 : i32
    return %arg0, %c0_i32 : i32, i32
  }
  func.func @transform_4(%arg0: i32) -> (i32, i32) {
    %c0_i32 = arith.constant 0 : i32
    %c0_i32_0 = arith.constant 0 : i32
    return %arg0, %c0_i32 : i32, i32
  }
}

</mosaic_0001>

<sc_bundles>
// kernel: kernel.4.cloned.1.call-start
scs
__scs_entry_jumppad:
0x0: {  	(pc) =	sbr.rel $0x88, $3  }
0x1: {  	(tag) =	ssettag $0x0;
	lr =	simm.s32 $0x1  }
0x2: {  	[smem:$0x3F9D] =	sst lr;
	_ =	strace $0xD0000000  }
0x3: {  	_ = 	snop  }
0x4: {  	_ = 	snop  }
0x5: {  	_ = 	snop  }
0x6: {  	_ = 	snop  }
0x7: {  	_ = 	snop  }
__scs_overlays_trampoline_lowered:
0x8: {  	[smem:$0x3FAC] =	sst s0  }
0x9: {  	[smem:$0x3FAD] =	sst s1  }
0xa: {  	[smem:$0x3FAE] =	sst s2  }
0xb: {  	[smem:$0x3FAF] =	sst s3  }
0xc: {  	[smem:$0x3FB0] =	sst s4  }
0xd: {  	[smem:$0x3FB1] =	sst s5  }
0xe: {  	[smem:$0x3FB2] =	sst s6  }
0xf: {  	[smem:$0x3FB3] =	sst s7  }
0x10: {  	[smem:$0x3FB4] =	sst s8  }
0x11: {  	[smem:$0x3FB5] =	sst s9;
	s0 =	simm.s32 @!p0 $0x0  }
0x12: {  	s1 =	sld [smem:$0x3F9B];
	s0 =	simm.s32 @p0 $0x1  }
0x13: {  	[smem:$0x3FB6] =	sst s0;
	s0 =	simm.s32 @!p1 $0x0  }
0x14: {  	s2 =	sld [smem:$0x3F9A];
	s0 =	simm.s32 @p1 $0x1  }
0x15: {  	[smem:$0x3FB7] =	sst s0;
	s0 =	simm.s32 @!p2 $0x0  }
0x16: {  	s3 =	sld [smem:$0x3FDB];
	s0 =	simm.s32 @p2 $0x1  }
0x17: {  	s4 =	simm.s32 $0x1BF5;
	[smem:$0x3FB9] =	sst s0  }
0x18: {  	s0 =	sld [smem:$0x3F9C];
	_ =	swait.ge [sflag:s4], $0x0  }
0x19: {  	s7 =	sld [smem:$0x3F9D]  }
0x1a: {  	s8 =	sadd.s32 $0xFFFFE003, lr  }
0x1b: {  	s9 =	sadd.s32 $0xFFFFFEF7, lr;
	s5 =	simm.s32 $0xFFFFFFFF;
	p2 =	slt.u32 s8, $0xFFFFF086  }
0x1c: {  	p1 =	slt.u32 s9, $0xF7A;
	s5 =	simm.s32 @!p2 $0x0  }
0x1d: {  	s5 =	simm.s32 @p1 $0x1;
	p0 =	seq.s32 s7, s2  }
0x1e: {  	s7 =	smul.u32 @!p0 $0xF7A, s2;
	p2 =	seq.s32 @!p0 s5, $0x0  }
0x1f: {  	s9 =	smul.u32 $0xF7A, s1;
	s8 =	simm.s32 @!p0 $0x1BF5;
	p2 =	por !p2, p0  }
0x20: {  	[sflag:s8] =	ssyncset.s32 @!p0 $0xFFFFF086;
	s6 =	sadd.s32 @!p0 s3, s7;
	s7 =	simm.s32 @!p0 $0x108  }
0x21: {  	s3 =	sadd.s32 s3, s9;
	s6 =	sadd.s32 @!p0 $0x88, s6;
	s7 =	simm.s32 @p2 $0x1082  }
0x22: {  	[simem:s7], [sflag:s8] =	dma.local @!p0 [hbm:s6], $0xF7A  }
0x23: {  	s9 =	sor.u32 $0xD0000000, s2;
	s6 =	simm.s32 $0x108;
	_ =	swait.ge @!p0 [sflag:s8], $0x0  }
0x24: {  	s3 =	sadd.s32 $0x88, s3;
	s6 =	simm.s32 @!p1 $0x1082;
	[sflag:s4] =	ssyncset.s32 $0xFFFFF086  }
0x25: {  	[simem:s6], [sflag:s4] =	dma.local [hbm:s3], $0xF7A  }
0x26: {  	[smem:$0x3F9D] =	sst s1;
	(tag) =	ssettag s2;
	_ =	strace s9  }
0x27: {  	s1 =	sld [smem:$0x3FAD]  }
0x28: {  	s2 =	sld [smem:$0x3FAE]  }
0x29: {  	s4 =	sld [smem:$0x3FB0]  }
0x2a: {  	p0 =	seq.s32 s5, $0x0;
	s5 =	sld [smem:$0x3FB1]  }
0x2b: {  	s6 =	sld [smem:$0x3FB2]  }
0x2c: {  	s7 =	sld [smem:$0x3FB3]  }
0x2d: {  	s3 =	simm.s32 $0x108;
	s8 =	sld [smem:$0x3FB4]  }
0x2e: {  	s3 =	simm.s32 @!p0 $0x1082;
	s9 =	sld [smem:$0x3FB5]  }
0x2f: {  	lr =	sadd.s32 s0, s3;
	s0 =	sld [smem:$0x3FAC]  }
0x30: {  	s3 =	sld [smem:$0x3FAF]  }
0x31: {  	[smem:$0x3FB8] =	sst s10  }
0x32: {  	s10 =	sld [smem:$0x3FB6];
	_ =	sdelay $0x3  }
0x33: {  	p0 =	seq.s32 s10, $0x1;
	s10 =	sld [smem:$0x3FB8];
	_ =	sdelay $0x3  }
0x34: {  	[smem:$0x3FB8] =	sst s10  }
0x35: {  	s10 =	sld [smem:$0x3FB7];
	_ =	sdelay $0x3  }
0x36: {  	p1 =	seq.s32 s10, $0x1;
	s10 =	sld [smem:$0x3FB8];
	_ =	sdelay $0x3  }
0x37: {  	[smem:$0x3FB8] =	sst s10  }
0x38: {  	s10 =	sld [smem:$0x3FB9]  }
0x39: {  	_ = 	snop;
	(pc) =	sbr.ind lr, $3  }
0x3a: {  	_ = 	snop  }
0x3b: {  	_ = 	snop  }
0x3c: {  	p2 =	seq.s32 s10, $0x1;
	s10 =	sld [smem:$0x3FB8]  }
0x3d: {  	_ =	shalt  }
0x3e: {  	_ =	shalt  }
0x3f: {  	_ =	shalt  }
0x40: {  	_ =	shalt  }
0x41: {  	_ =	shalt  }
0x42: {  	_ =	shalt  }
0x43: {  	_ =	shalt  }
0x44: {  	_ =	shalt  }
0x45: {  	_ =	shalt  }
0x46: {  	_ =	shalt  }
0x47: {  	_ =	shalt  }
0x48: {  	_ =	shalt  }
0x49: {  	_ =	shalt  }
0x4a: {  	_ =	shalt  }
0x4b: {  	_ =	shalt  }
0x4c: {  	_ =	shalt  }
0x4d: {  	_ =	shalt  }
0x4e: {  	_ =	shalt  }
0x4f: {  	_ =	shalt  }
0x50: {  	_ =	shalt  }
0x51: {  	_ =	shalt  }
0x52: {  	_ =	shalt  }
0x53: {  	_ =	shalt  }
0x54: {  	_ =	shalt  }
0x55: {  	_ =	shalt  }
0x56: {  	_ =	shalt  }
0x57: {  	_ =	shalt  }
0x58: {  	_ =	shalt  }
0x59: {  	_ =	shalt  }
0x5a: {  	_ =	shalt  }
0x5b: {  	_ =	shalt  }
0x5c: {  	_ =	shalt  }
0x5d: {  	_ =	shalt  }
0x5e: {  	_ =	shalt  }
0x5f: {  	_ =	shalt  }
0x60: {  	_ =	shalt  }
0x61: {  	_ =	shalt  }
0x62: {  	_ =	shalt  }
0x63: {  	_ =	shalt  }
0x64: {  	_ =	shalt  }
0x65: {  	_ =	shalt  }
0x66: {  	_ =	shalt  }
0x67: {  	_ =	shalt  }
0x68: {  	_ =	shalt  }
0x69: {  	_ =	shalt  }
0x6a: {  	_ =	shalt  }
0x6b: {  	_ =	shalt  }
0x6c: {  	_ =	shalt  }
0x6d: {  	_ =	shalt  }
0x6e: {  	_ =	shalt  }
0x6f: {  	_ =	shalt  }
0x70: {  	_ =	shalt  }
0x71: {  	_ =	shalt  }
0x72: {  	_ =	shalt  }
0x73: {  	_ =	shalt  }
0x74: {  	_ =	shalt  }
0x75: {  	_ =	shalt  }
0x76: {  	_ =	shalt  }
0x77: {  	_ =	shalt  }
0x78: {  	_ =	shalt  }
0x79: {  	_ =	shalt  }
0x7a: {  	_ =	shalt  }
0x7b: {  	_ =	shalt  }
0x7c: {  	_ =	shalt  }
0x7d: {  	_ =	shalt  }
0x7e: {  	_ =	shalt  }
0x7f: {  	_ =	shalt  }
0x80: {  	_ =	shalt  }
0x81: {  	_ =	shalt  }
0x82: {  	_ =	shalt  }
0x83: {  	_ =	shalt  }
0x84: {  	_ =	shalt  }
0x85: {  	_ =	shalt  }
0x86: {  	_ =	shalt  }
0x87: {  	_ =	shalt  }
.Lfunc_end0:
.L_simem_size_0:
called_computation_lowered:
.L_overlay_start_0:
0x88: {  	s2 =	sld [smem:$0x3FD9]  }
0x89: {  	s3 =	sld [smem:$0x3FFE];
	_ =	sdelay $0x1  }
0x8a: {  	s1 =	srdreg.scid  }
0x8b: {  	s0 =	sand.u32 $0x1, s1  }
0x8c: {  	s15 =	sshll.u32 s0, $0xA;
	s2 =	sadd.s32 s3, s2  }
0x8d: {  	s2 =	sadd.s32 s2, s15  }
0x8e: {  	[smem:$0x3FC4] =	sst s2  }
0x8f: {  	_ = 	snop  }
0x90: {  	s2 =	sld [smem:$0x3FD0];
	_ =	sdelay $0x1  }
0x91: {  	s16 =	sld [smem:$0x3FC8]  }
0x92: {  	s5 =	simm.s32 $0xA;
	s6 =	simm.s32 $0x10;
	s4 =	sld [smem:$0x3FC7]  }
0x93: {  	[smem:s6], [sflag:s5] =	dma.local [hbm:s2], $0x1  }
0x94: {  	_ =	swait.eq [sflag:s5], $0x1  }
0x95: {  	s17 =	sld [smem:$0x10];
	[sflag:s5] =	ssyncset.done $0x0  }
0x96: {  	s18 =	sld [smem:$0x11];
	[sflag:s5] =	ssyncadd.s32 $0xFFFFFFFF  }
0x97: {  	s19 =	sld [smem:$0x12];
	(tm) =	ssettm $0x1  }
0x98: {  	s7 =	sld [smem:$0x3FFB];
	_ =	sdelay $0x3  }
0x99: {  	_ =	strace s7  }
0x9a: {  	s7 =	sld [smem:$0x3FFC];
	_ =	sdelay $0x3  }
0x9b: {  	_ =	strace s7  }
0x9c: {  	s7 =	sld [smem:$0x3FFD];
	_ =	sdelay $0x3  }
0x9d: {  	_ =	strace s7  }
0x9e: {  	_ =	strace $0x8FFFFFFF  }
0x9f: {  	s20 =	sld [smem:$0x3FDB];
	_ =	sdelay $0x1  }
0xa0: {  	s8 =	simm.s32 $_scs_section_size  }
0xa1: {  	s9 =	simm.s32 $_size__tile_overlayer_lowered;
	s10 =	simm.s32 $_tile_overlayer_lowered  }
0xa2: {  	s23 =	simm.s32 $0x1BFF;
	s22 =	sshll.u32 s10, $0x1;
	s7 =	sadd.s32 s8, s20  }
0xa3: {  	s11 =	simm.s32 $0x0;
	s21 =	sshll.u32 s9, $0x1;
	s9 =	sadd.s32 s22, s7  }
0xa4: {  	[timem:s11], [sflag:s23] =	dma.local [hbm:s9], s21  }
0xa5: {  	_ =	swait.ge [sflag:s23], s21  }
0xa6: {  	s8 =	ssub.s32 $0x0, s21;
	[sflag:s23] =	ssyncset.done $0x0  }
0xa7: {  	[sflag:s23] =	ssyncadd.s32 s8;
	_ =	sdelay $0x1  }
0xa8: {  	s24 =	simm.s32 $0x1B8B  }
0xa9: {  	_ =	swait.ge [sflag:s24], $0x1  }
0xaa: {  	[sflag:s24] =	ssyncset.done $0x0  }
0xab: {  	s25 =	simm.s32 $0x1B8E;
	[sflag:s24] =	ssyncadd.s32 $0xFFFFFFFF  }
0xac: {  	s26 =	simm.s32 $execute0_lowered;
	[smem:$0x3FD2] =	sst s25  }
0xad: {  	s8 =	sshll.u32 s26, $0x1;
	_ =	strace $0x80000046;
	[dreg:$0x1] =	wrdreg $0xFFFFFFFF  }
0xae: {  	s28 =	simm.s32 $_size_execute0_lowered;
	s7 =	sadd.s32 s7, s8;
	[dreg:$0x0] =	wrdreg $0x0  }
0xaf: {  	s8 =	sshll.u32 s28, $0x1;
	[dreg:$0x2] =	wrdreg s7  }
0xb0: {  	[dreg:$0x3] =	wrdreg s8  }
0xb1: {  	[dreg:$0x4] =	wrdreg $0xC0  }
0xb2: {  	_ =	task [dreg:s11], $0x5FFFF  }
0xb3: {  	[dreg:$0x1] =	wrdreg $0xFFFFFFFF  }
0xb4: {  	[dreg:$0x0] =	wrdreg $0x60  }
0xb5: {  	[dreg:$0x2] =	wrdreg s17  }
0xb6: {  	[dreg:$0x3] =	wrdreg s4  }
0xb7: {  	[dreg:$0x4] =	wrdreg s16  }
0xb8: {  	[dreg:$0x5] =	wrdreg s18  }
0xb9: {  	[dreg:$0x6] =	wrdreg s19  }
0xba: {  	[dreg:$0x7] =	wrdreg $0x9  }
0xbb: {  	_ =	task.clear_ibuf [dreg:s11], $0x8FFFF;
	_ =	strace $0x90000046  }
0xbc: {  	s29 =	simm.s32 $0x9;
	_ =	strace $0x80000048  }
0xbd: {  	_ =	swait.ge [sflag:s29], $0x1  }
0xbe: {  	[sflag:s29] =	ssyncadd.s32 $0xFFFFFFFF  }
0xbf: {  	_ =	strace $0x90000048  }
0xc0: {  	_ =	sfence  }
0xc1: {  	s30 =	sld [smem:$0x0];
	_ =	sdelay $0x2  }
0xc2: {  	s31 =	sshll.u32 s1, $0xD;
	s1 =	sshrl.u32 s1, $0x2  }
0xc3: {  	s3 =	sand.u32 $0x4000, s31;
	s1 =	sadd.s32 s1, s30  }
0xc4: {  	s0 =	sor.u32 s3, s0;
	s1 =	sshll.u32 s1, $0x11  }
0xc5: {  	s0 =	sor.u32 s1, s0  }
0xc6: {  	s0 =	sadd.s32 $0x8F2B, s0  }
0xc7: {  	[sflag:s0] =	ssyncadd.remote.s32 $0x1  }
0xc8: {  	_ =	sfence.sel $0xFFFF  }
0xc9: {  	[dreg:$0x0] =	wrdreg $0xFFFFFFFF;
	(pc) =	sbr.abs _section_cstart, $3  }
0xca: {  	[dreg:$0x1] =	wrdreg $0xFFFFFFFF  }
0xcb: {  	_ =	task.clear_ibuf [dreg:s11], $0x2FFFF;
	_ =	strace $0x9FFFFFFF  }
0xcc: {  	(tm) =	ssettm $0x7FFFFFFF  }
0xcd: {  	_ =	shalt  }
tec
execute0_lowered:
.L_overlay_start_1:
0x0: {  	(tag) =	ssettag $0x1  }
0x1: {  	s1 =	rddreg [dreg:$0x0]  }
0x2: {  	s2 =	rddreg [dreg:$0x1]  }
0x3: {  	s5 =	rddreg [dreg:$0x2]  }
0x4: {  	s6 =	rddreg [dreg:$0x3]  }
0x5: {  	s8 =	rddreg [dreg:$0x4];
	s4 =	srdreg.scid  }
0x6: {  	s0 =	rddreg [dreg:$0x5];
	s3 =	stileid.u32;
	s12 =	simm.s32 $0x600  }
0x7: {  	s13 =	simm.s32 $0x1600;
	s14 =	simm.s32 $0x2600;
	s15 =	simm.s32 $0x0  }
0x8: {  	s7 =	sand.u32 $0x1, s4;
	s4 =	simm.s32 $0x0;
	s10 =	sshll.u32 s3, $0x1  }
0x9: {  	s9 =	ssub.s32 $0x2, s7;
	[smem:$0x7FF] =	sst s4;
	s7 =	sor.u32 s7, s10  }
0xa: {  	s11 =	sshrl.u32 s9, $0x1;
	_ =	strace $0x80000047;
	s10 =	sshll.u32 s7, $0x9  }
0xb: {  	s31 =	sshll.u32 s7, $0x2;
	s7 =	sshll.u32 s7, $0x5;
	s9 =	ssub.s32 s9, s11  }
0xc: {  	s5 =	sadd.s32 s5, s10;
	s6 =	sadd.s32 s6, s10;
	s8 =	sadd.s32 s8, s31  }
0xd: {  	s10 =	simm.s32 $0x1;
	s11 =	simm.s32 $0x200;
	s9 =	smax.u32 s9, $0x1  }
.LBB2_1:
0xe: {  	[tilespmem:s4], [sflag:$0x1] =	stream.linear.gather [hbm4b:s1+s4], $0x200, $0x38;
	[tilespmem:$0x2680] =	vst v63  }
0xf: {  	_ =	swait.ge [sflag:s10], $0x200  }
0x10: {  	[sflag:s10] =	ssyncset.done $0x0  }
0x11: {  	[sflag:s10] =	ssyncadd.s32 $0xFFFFFE00  }
0x12: {  	[tilespmem:s11], [sflag:$0x1] =	stream.linear.gather [hbm4b:s2+s4], $0x400, $0x38;
	[tilespmem:$0x2680] =	vst v63  }
0x13: {  	_ =	swait.ge [sflag:s10], $0x400  }
0x14: {  	[sflag:s10] =	ssyncset.done $0x0  }
0x15: {  	[sflag:s10] =	ssyncadd.s32 $0xFFFFFC00  }
0x16: {  	[tilespmem:s12], [sflag:$0x1] =	stream.linear.gather [hbm4b:s5+s4], $0x1000, $0x38;
	[tilespmem:$0x2680] =	vst v63  }
0x17: {  	_ =	swait.ge [sflag:s10], $0x1000  }
0x18: {  	s16 =	simm.s32 $0xFFFFFFFC;
	[sflag:s10] =	ssyncset.done $0x0  }
0x19: {  	s17 =	simm.s32 $0x1620;
	s18 =	simm.s32 $0x620;
	[sflag:s10] =	ssyncadd.s32 $0xFFFFF000  }
.LBB2_2:
0x1a: {  	v0 =	vld [tilespmem:s18+$0xFFFFFFE0];
	_ =	sdelay $0x7  }
0x1b: {  	v0 =	vld.idx.msk [tilespmem:v0+s11+$0x0], $0xffff;
	_ =	sdelay $0x7  }
0x1c: {  	v0 =	vld.idx.msk [tilespmem:v0+s4+$0x0], $0xffff;
	_ =	sdelay $0x4  }
0x1d: {  	[tilespmem:s17+$0xFFFFFFE0] =	vst v0  }
0x1e: {  	v0 =	vld [tilespmem:s18+$0xFFFFFFF0];
	_ =	sdelay $0x7  }
0x1f: {  	v0 =	vld.idx.msk [tilespmem:v0+s11+$0x0], $0xffff;
	_ =	sdelay $0x7  }
0x20: {  	v0 =	vld.idx.msk [tilespmem:v0+s4+$0x0], $0xffff;
	_ =	sdelay $0x4  }
0x21: {  	[tilespmem:s17+$0xFFFFFFF0] =	vst v0  }
0x22: {  	v0 =	vld [tilespmem:s18+$0x0];
	_ =	sdelay $0x7  }
0x23: {  	v0 =	vld.idx.msk [tilespmem:v0+s11+$0x0], $0xffff;
	_ =	sdelay $0x7  }
0x24: {  	v0 =	vld.idx.msk [tilespmem:v0+s4+$0x0], $0xffff;
	_ =	sdelay $0x4  }
0x25: {  	[tilespmem:s17+$0x0] =	vst v0  }
0x26: {  	v0 =	vld [tilespmem:s18+$0x10];
	_ =	sdelay $0x7  }
0x27: {  	v0 =	vld.idx.msk [tilespmem:v0+s11+$0x0], $0xffff;
	_ =	sdelay $0x6  }
0x28: {  	s16 =	sadd.s32 $0x4, s16  }
0x29: {  	p0 =	slt.u32 s16, $0xFC;
	v0 =	vld.idx.msk [tilespmem:v0+s4+$0x0], $0xffff  }
.Ltmp0:
0x2a: {  	_ = 	snop;
	(pc) =	sbr.rel @p0 .LBB2_2-.Ltmp0, $2  }
0x2b: {  	_ =	sdelay $0x2  }
0x2c: {  	s18 =	sadd.s32 $0x40, s18;
	[tilespmem:s17+$0x10] =	vst v0;
	s17 =	sadd.s32 $0x40, s17  }
0x2d: {  	[hbm4b:s6+s4] =	stream.linear.scatter [tilespmem:s13], [sflag:$0x1], $0x1000, $0x38;
	[tilespmem:$0x2680] =	vst v63  }
0x2e: {  	_ =	swait.ge [sflag:s10], $0x1000  }
0x2f: {  	[sflag:s10] =	ssyncset.done $0x0  }
0x30: {  	[sflag:s10] =	ssyncadd.s32 $0xFFFFF000  }
0x31: {  	v0 =	vld [tilespmem:s7+$0x200];
	_ =	sdelay $0x7  }
0x32: {  	v0 =	vld.idx.msk [tilespmem:v0+s4+$0x0], $0xffff;
	_ =	sdelay $0x4  }
0x33: {  	[tilespmem:$0x2600] =	vst v0  }
0x34: {  	v0 =	vld [tilespmem:s7+$0x210];
	_ =	sdelay $0x7  }
0x35: {  	v0 =	vld.idx.msk [tilespmem:v0+s4+$0x0], $0xffff;
	_ =	sdelay $0x2  }
0x36: {  	s15 =	sadd.s32 $0x1, s15  }
0x37: {  	p0 =	sne.s32 s15, s9  }
.Ltmp1:
0x38: {  	[tilespmem:$0x2610] =	vst v0;
	(pc) =	sbr.rel @p0 .LBB2_1-.Ltmp1, $4  }
0x39: {  	[hbm4b:s8+s4] =	stream.linear.scatter [tilespmem:s14], [sflag:$0x1], $0x20, $0x38;
	[tilespmem:$0x2680] =	vst v63  }
0x3a: {  	_ =	swait.ge [sflag:s10], $0x20  }
0x3b: {  	[sflag:s10] =	ssyncset.done $0x0  }
0x3c: {  	[sflag:s10] =	ssyncadd.s32 $0xFFFFFFE0  }
0x3d: {  	_ =	sfence.sel $0x180000  }
0x3e: {  	[bflag:$0x0] =	sbarrier.arrive $0xFFFF  }
0x3f: {  	p0 =	sne.s32 s3, $0x0;
	_ =	strace $0x90000047  }
0x40: {  	s0 =	sadd.s32 @!p0 $0x100000, s0;
	[bflag:$0x2] =	sbarrier.arrive $0xFFFF  }
0x41: {  	[sflag:s0] =	ssyncadd.tile.s32 @!p0 $0x1;
	_ =	shalt  }
.Lfunc_end2:
_tile_overlayer_lowered:
.L_overlay_start_2:
0x42: {  	(tag) =	ssettag $0x2  }
0x43: {  	s0 =	rddreg [dreg:$0x0];
	s2 =	stileid.u32  }
0x44: {  	s1 =	rddreg [dreg:$0x1];
	p0 =	sne.s32 s2, $0x0  }
0x45: {  	s3 =	rddreg [dreg:$0x2];
	[bflag:$0x3] =	sbarrier.arrive $0xFFFF;
	s2 =	simm.s32 @!p0 $0x1C01  }
0x46: {  	[timem:s3], [sflag:s2] =	dma.local @!p0 [hbm:s0], s1  }
0x47: {  	s0 =	simm.s32 @!p0 $0x1  }
0x48: {  	_ =	swait.ge @!p0 [sflag:s0], s1  }
0x49: {  	s1 =	ssub.s32 @!p0 $0x0, s1;
	[sflag:s0] =	ssyncset.done @!p0 $0x0  }
0x4a: {  	[sflag:s0] =	ssyncadd.s32 @!p0 s1  }
0x4b: {  	[bflag:$0x3] =	sbarrier.arrive $0xFFFF  }
0x4c: {  	_ =	shalt  }

</sc_bundles>
